<compile_context>
chip_gen: v7x
topology: tpu7x:2x2x1
jax: 0.10.2.dev20260603
libtpu: 0.0.44.dev20260713+nightly
codegen_flags: <defaults>
</compile_context>

<pallas_src>
import jax
import jax.numpy as jnp
from jax import lax
from jax.experimental import pallas as pl
from jax.experimental.pallas import tpu as pltpu
from jax.experimental.pallas import tpu_sc as plsc
import functools

T_ROWS = 1000
D = 4096
NC = 1
NS = 16
L = 16
NW = NC * NS
CHUNK = D // NW
WIN = 16

_mesh = plsc.VectorSubcoreMesh(
    core_axis_name="c", subcore_axis_name="s", num_cores=NC, num_subcores=NS
)


@functools.partial(
    pl.kernel,
    out_type=jax.ShapeDtypeStruct((D,), jnp.float32),
    mesh=_mesh,
    scratch_types=[
        pltpu.VMEM((L,), jnp.float32),
        pltpu.VMEM((WIN, CHUNK), jnp.float32),
        pltpu.VMEM((CHUNK,), jnp.float32),
    ],
    compiler_params=pltpu.CompilerParams(
        needs_layout_passes=False, skip_device_barrier=True
    ),
)
def _lerp_lookup(t_hbm, emb_hbm, out_hbm, t_v, rows_v, out_v):
    wid = lax.axis_index("s") * NC + lax.axis_index("c")
    col = wid * CHUNK

    pltpu.sync_copy(t_hbm, t_v)
    tv = t_v[...]
    time = (tv + 1.0) * (0.5 * (T_ROWS - 1))
    t0 = jnp.maximum(time.astype(jnp.int32), 0)
    alpha = time - t0.astype(jnp.float32)
    t0c = jnp.minimum(t0, T_ROWS - 2)
    alpha = jnp.where(t0 > T_ROWS - 2, jnp.float32(1.0), alpha)
    base = jnp.minimum(t0c & ~7, T_ROWS - WIN)
    off = t0c - base
    base_s = pl.multiple_of(jnp.max(base), 8)

    pltpu.sync_copy(emb_hbm.at[pl.ds(base_s, WIN), pl.ds(col, CHUNK)], rows_v)

    lanes = jax.lax.iota(jnp.int32, L)
    for j in range(CHUNK // L):
        cid = lanes + (j * L)
        lo = plsc.load_gather(rows_v, [off, cid])
        hi = plsc.load_gather(rows_v, [off + 1, cid])
        out_v[pl.ds(j * L, L)] = lo + alpha * (hi - lo)

    pltpu.sync_copy(out_v, out_hbm.at[pl.ds(col, CHUNK)])


def kernel(t, time_emb):
    t_vec = jnp.full((L,), t, dtype=jnp.float32)
    return _lerp_lookup(t_vec, time_emb)

# --- scband reference (transcript-rebuilt; emitter-appended) ---
"""Pipeline reference for scband-time-latent-module-unnorm-18683107738277 (READ-ONLY COPY).

The authoritative reference and input builder live on the scoring server;
editing this copy changes nothing except your own understanding.
"""

import jax, jax.numpy as jnp
import numpy as np

T = 1000
D = 4096


def setup_inputs(seed: int = 0) -> dict:
    key = jax.random.key(seed)
    k1, k2 = jax.random.split(key)
    # scalar t in [0, 1) (original code expects t in [-1, 1]; [0,1) keeps indices in-range)
    t = jax.random.uniform(k1, (), dtype=jnp.float32)
    # learned parameter: time_emb = torch.rand(T, D)
    time_emb = jax.random.uniform(k2, (T, D), dtype=jnp.float32)
    return {"t": t, "time_emb": time_emb}


def reference(t, time_emb):
    num_frames = T
    time = (t + 1.0) / 2.0 * (num_frames - 1)
    # torch: t0 = int(floor(time).item()) -> integer constant index
    t0 = jnp.floor(time).astype(jnp.int32)
    t1 = jnp.minimum(t0 + 1, num_frames - 1)
    alpha = time - t0.astype(jnp.float32)
    e0 = jnp.take(time_emb, t0, axis=0)
    e1 = jnp.take(time_emb, t1, axis=0)
    # torch.lerp(e0, e1, alpha) = e0 + alpha * (e1 - e0)
    return e0 + alpha * (e1 - e0)

if __name__ == "__main__":
    import jax
    _d = setup_inputs()
    print(jax.jit(kernel)(*tuple(_d.values())))

</pallas_src>

<mosaic_0001>
#map = affine_map<(d0, d1) -> (0)>
#map1 = affine_map<(d0, d1) -> (0, 0)>
module attributes {stable_mosaic.version = 14 : i64} {
  func.func @_lerp_lookup(%arg0: i32, %arg1: i32, %arg2: memref<16xf32, #tpu.memory_space<hbm>>, %arg3: memref<1000x4096xf32, #tpu.memory_space<hbm>>, %arg4: memref<4096xf32, #tpu.memory_space<hbm>>, %arg5: memref<16xf32, #tpu.memory_space<vmem>>, %arg6: memref<16x256xf32, #tpu.memory_space<vmem>>, %arg7: memref<256xf32, #tpu.memory_space<vmem>>) attributes {dimension_semantics = [#tpu.dimension_semantics<core_parallel>, #tpu.dimension_semantics<subcore_parallel>], iteration_bounds = array<i64: 1, 16>, scalar_prefetch = 0 : i64, scratch_operands = 3 : i64, tpu.core_type = #tpu.core_type<sc_vector_subcore>, window_params = [{transform_indices = #map}, {transform_indices = #map1}, {transform_indices = #map}]} {
    %mul3A = arith.constant 1 : i32
    %mul3A_0 = arith.muli %arg1, %mul3A : i32
    %add3A = arith.addi %mul3A_0, %arg0 : i32
    %mul3A_1 = arith.constant 256 : i32
    %mul3A_2 = arith.muli %add3A, %mul3A_1 : i32
    "tpu.region"() ({
      %run_scoped3A = tpu.sem_alloc : memref<!tpu.dma_semaphore, #tpu.memory_space<semaphore_mem>>
      tpu.enqueue_dma source(%arg2 : memref<16xf32, #tpu.memory_space<hbm>>) target(%arg5 : memref<16xf32, #tpu.memory_space<vmem>>) target_semaphore(%run_scoped3A : memref<!tpu.dma_semaphore, #tpu.memory_space<semaphore_mem>>)
      tpu.wait_dma2 semaphore(%run_scoped3A : memref<!tpu.dma_semaphore, #tpu.memory_space<semaphore_mem>>) src(%arg2 : memref<16xf32, #tpu.memory_space<hbm>>) dst(%arg5 : memref<16xf32, #tpu.memory_space<vmem>>)
      tpu.yield
    }) : () -> ()
    %get3A = arith.constant 0 : index
    %get3A_3 = tpu.vector_load %arg5[%get3A] {strides = array<i32>} : memref<16xf32, #tpu.memory_space<vmem>>, vector<16xf32>,
    %add3A_4 = arith.constant 1.000000e+00 : f32
    %add3A_5 = vector.broadcast %add3A_4 : f32 to vector<16xf32>
    %add3A_6 = arith.addf %get3A_3, %add3A_5 : vector<16xf32>
    %mul3A_7 = arith.constant 4.995000e+02 : f32
    %mul3A_8 = vector.broadcast %mul3A_7 : f32 to vector<16xf32>
    %mul3A_9 = arith.mulf %add3A_6, %mul3A_8 : vector<16xf32>
    %convert_element_type3A = arith.fptosi %mul3A_9 : vector<16xf32> to vector<16xi32>
    %max3A = arith.constant 0 : i32
    %max3A_10 = vector.broadcast %max3A : i32 to vector<16xi32>
    %max3A_11 = arith.maxsi %convert_element_type3A, %max3A_10 : vector<16xi32>
    %convert_element_type3A_12 = arith.sitofp %max3A_11 : vector<16xi32> to vector<16xf32>
    %sub3A = arith.subf %mul3A_9, %convert_element_type3A_12 : vector<16xf32>
    %min3A = arith.constant 998 : i32
    %min3A_13 = vector.broadcast %min3A : i32 to vector<16xi32>
    %min3A_14 = arith.minsi %max3A_11, %min3A_13 : vector<16xi32>
    %gt3A = arith.constant 998 : i32
    %gt3A_15 = vector.broadcast %gt3A : i32 to vector<16xi32>
    %gt3A_16 = arith.cmpi sgt, %max3A_11, %gt3A_15 : vector<16xi32>
    %jit3A = arith.constant 1.000000e+00 : f32
    %broadcast_in_dim3A = vector.broadcast %jit3A : f32 to vector<16xf32>
    %select_n3A = arith.select %gt3A_16, %broadcast_in_dim3A, %sub3A : vector<16xi1>, vector<16xf32>
    %and3A = arith.constant -8 : i32
    %and3A_17 = vector.broadcast %and3A : i32 to vector<16xi32>
    %and3A_18 = arith.andi %min3A_14, %and3A_17 : vector<16xi32>
    %min3A_19 = arith.constant 984 : i32
    %min3A_20 = vector.broadcast %min3A_19 : i32 to vector<16xi32>
    %min3A_21 = arith.minsi %and3A_18, %min3A_20 : vector<16xi32>
    %sub3A_22 = arith.subi %min3A_14, %min3A_21 : vector<16xi32>
    %reduce_max3A = arith.constant true
    %reduce_max3A_23 = vector.broadcast %reduce_max3A : i1 to vector<16xi1>
    %reduce_max3A_24 = arith.constant -2147483648 : i32
    %reduce_max3A_25 = vector.broadcast %reduce_max3A_24 : i32 to vector<16xi32>
    %reduce_max3A_26 = arith.xori %min3A_21, %reduce_max3A_25 : vector<16xi32>
    %reduce_max3A_27 = tpu.scan <max>, %reduce_max3A_26 masked %reduce_max3A_23 : vector<16xi32>, vector<16xi1> -> vector<16xi32>
    %reduce_max3A_28 = arith.xori %reduce_max3A_27, %reduce_max3A_25 : vector<16xi32>
    %reduce_max3A_29 = vector.extract %reduce_max3A_28[15] : i32 from vector<16xi32>
    %multiple_of3A = tpu.assume_multiple %reduce_max3A_29, 8 : i32
    "tpu.region"() ({
      %run_scoped3A = tpu.sem_alloc : memref<!tpu.dma_semaphore, #tpu.memory_space<semaphore_mem>>
      %dma_start3A = tpu.memref_slice %arg3[%multiple_of3A, %mul3A_2] : memref<1000x4096xf32, #tpu.memory_space<hbm>> -> memref<16x256xf32, #tpu.memory_space<hbm>>
      %dma_start3A_236 = tpu.memref_slice %arg3[%multiple_of3A, %mul3A_2] : memref<1000x4096xf32, #tpu.memory_space<hbm>> -> memref<16x256xf32, #tpu.memory_space<hbm>>
      tpu.enqueue_dma source(%dma_start3A_236 : memref<16x256xf32, #tpu.memory_space<hbm>>) target(%arg6 : memref<16x256xf32, #tpu.memory_space<vmem>>) target_semaphore(%run_scoped3A : memref<!tpu.dma_semaphore, #tpu.memory_space<semaphore_mem>>)
      %dma_wait3A = tpu.memref_slice %arg3[%multiple_of3A, %mul3A_2] : memref<1000x4096xf32, #tpu.memory_space<hbm>> -> memref<16x256xf32, #tpu.memory_space<hbm>>
      %dma_wait3A_237 = tpu.memref_slice %arg3[%multiple_of3A, %mul3A_2] : memref<1000x4096xf32, #tpu.memory_space<hbm>> -> memref<16x256xf32, #tpu.memory_space<hbm>>
      tpu.wait_dma2 semaphore(%run_scoped3A : memref<!tpu.dma_semaphore, #tpu.memory_space<semaphore_mem>>) src(%dma_wait3A_237 : memref<16x256xf32, #tpu.memory_space<hbm>>) dst(%arg6 : memref<16x256xf32, #tpu.memory_space<vmem>>)
      tpu.yield
    }) : () -> ()
    %iota3A = tpu.iota {dimensions = array<i32: 0>} : vector<16xi32>
    %add3A_30 = arith.constant 0 : i32
    %add3A_31 = vector.broadcast %add3A_30 : i32 to vector<16xi32>
    %add3A_32 = arith.addi %iota3A, %add3A_31 : vector<16xi32>
    %gather3A = tpu.vector_load_idx %arg6[%sub3A_22, %add3A_32] : memref<16x256xf32, #tpu.memory_space<vmem>>[vector<16xi32>, vector<16xi32>], vector<16xf32>,
    %add3A_33 = arith.constant 1 : i32
    %add3A_34 = vector.broadcast %add3A_33 : i32 to vector<16xi32>
    %add3A_35 = arith.addi %sub3A_22, %add3A_34 : vector<16xi32>
    %gather3A_36 = tpu.vector_load_idx %arg6[%add3A_35, %add3A_32] : memref<16x256xf32, #tpu.memory_space<vmem>>[vector<16xi32>, vector<16xi32>], vector<16xf32>,
    %sub3A_37 = arith.subf %gather3A_36, %gather3A : vector<16xf32>
    %mul3A_38 = arith.mulf %select_n3A, %sub3A_37 : vector<16xf32>
    %add3A_39 = arith.addf %gather3A, %mul3A_38 : vector<16xf32>
    %swap3A = arith.constant 0 : index
    %swap3A_40 = tpu.vector_load %arg7[%swap3A] {strides = array<i32>} : memref<256xf32, #tpu.memory_space<vmem>>, vector<16xf32>,
    tpu.vector_store %arg7[%swap3A], %add3A_39 {strides = array<i32>} : memref<256xf32, #tpu.memory_space<vmem>>, vector<16xf32>,
    %add3A_41 = arith.constant 16 : i32
    %add3A_42 = vector.broadcast %add3A_41 : i32 to vector<16xi32>
    %add3A_43 = arith.addi %iota3A, %add3A_42 : vector<16xi32>
    %gather3A_44 = tpu.vector_load_idx %arg6[%sub3A_22, %add3A_43] : memref<16x256xf32, #tpu.memory_space<vmem>>[vector<16xi32>, vector<16xi32>], vector<16xf32>,
    %add3A_45 = arith.constant 1 : i32
    %add3A_46 = vector.broadcast %add3A_45 : i32 to vector<16xi32>
    %add3A_47 = arith.addi %sub3A_22, %add3A_46 : vector<16xi32>
    %gather3A_48 = tpu.vector_load_idx %arg6[%add3A_47, %add3A_43] : memref<16x256xf32, #tpu.memory_space<vmem>>[vector<16xi32>, vector<16xi32>], vector<16xf32>,
    %sub3A_49 = arith.subf %gather3A_48, %gather3A_44 : vector<16xf32>
    %mul3A_50 = arith.mulf %select_n3A, %sub3A_49 : vector<16xf32>
    %add3A_51 = arith.addf %gather3A_44, %mul3A_50 : vector<16xf32>
    %swap3A_52 = arith.constant 16 : index
    %swap3A_53 = tpu.vector_load %arg7[%swap3A_52] {strides = array<i32>} : memref<256xf32, #tpu.memory_space<vmem>>, vector<16xf32>,
    tpu.vector_store %arg7[%swap3A_52], %add3A_51 {strides = array<i32>} : memref<256xf32, #tpu.memory_space<vmem>>, vector<16xf32>,
    %add3A_54 = arith.constant 32 : i32
    %add3A_55 = vector.broadcast %add3A_54 : i32 to vector<16xi32>
    %add3A_56 = arith.addi %iota3A, %add3A_55 : vector<16xi32>
    %gather3A_57 = tpu.vector_load_idx %arg6[%sub3A_22, %add3A_56] : memref<16x256xf32, #tpu.memory_space<vmem>>[vector<16xi32>, vector<16xi32>], vector<16xf32>,
    %add3A_58 = arith.constant 1 : i32
    %add3A_59 = vector.broadcast %add3A_58 : i32 to vector<16xi32>
    %add3A_60 = arith.addi %sub3A_22, %add3A_59 : vector<16xi32>
    %gather3A_61 = tpu.vector_load_idx %arg6[%add3A_60, %add3A_56] : memref<16x256xf32, #tpu.memory_space<vmem>>[vector<16xi32>, vector<16xi32>], vector<16xf32>,
    %sub3A_62 = arith.subf %gather3A_61, %gather3A_57 : vector<16xf32>
    %mul3A_63 = arith.mulf %select_n3A, %sub3A_62 : vector<16xf32>
    %add3A_64 = arith.addf %gather3A_57, %mul3A_63 : vector<16xf32>
    %swap3A_65 = arith.constant 32 : index
    %swap3A_66 = tpu.vector_load %arg7[%swap3A_65] {strides = array<i32>} : memref<256xf32, #tpu.memory_space<vmem>>, vector<16xf32>,
    tpu.vector_store %arg7[%swap3A_65], %add3A_64 {strides = array<i32>} : memref<256xf32, #tpu.memory_space<vmem>>, vector<16xf32>,
    %add3A_67 = arith.constant 48 : i32
    %add3A_68 = vector.broadcast %add3A_67 : i32 to vector<16xi32>
    %add3A_69 = arith.addi %iota3A, %add3A_68 : vector<16xi32>
    %gather3A_70 = tpu.vector_load_idx %arg6[%sub3A_22, %add3A_69] : memref<16x256xf32, #tpu.memory_space<vmem>>[vector<16xi32>, vector<16xi32>], vector<16xf32>,
    %add3A_71 = arith.constant 1 : i32
    %add3A_72 = vector.broadcast %add3A_71 : i32 to vector<16xi32>
    %add3A_73 = arith.addi %sub3A_22, %add3A_72 : vector<16xi32>
    %gather3A_74 = tpu.vector_load_idx %arg6[%add3A_73, %add3A_69] : memref<16x256xf32, #tpu.memory_space<vmem>>[vector<16xi32>, vector<16xi32>], vector<16xf32>,
    %sub3A_75 = arith.subf %gather3A_74, %gather3A_70 : vector<16xf32>
    %mul3A_76 = arith.mulf %select_n3A, %sub3A_75 : vector<16xf32>
    %add3A_77 = arith.addf %gather3A_70, %mul3A_76 : vector<16xf32>
    %swap3A_78 = arith.constant 48 : index
    %swap3A_79 = tpu.vector_load %arg7[%swap3A_78] {strides = array<i32>} : memref<256xf32, #tpu.memory_space<vmem>>, vector<16xf32>,
    tpu.vector_store %arg7[%swap3A_78], %add3A_77 {strides = array<i32>} : memref<256xf32, #tpu.memory_space<vmem>>, vector<16xf32>,
    %add3A_80 = arith.constant 64 : i32
    %add3A_81 = vector.broadcast %add3A_80 : i32 to vector<16xi32>
    %add3A_82 = arith.addi %iota3A, %add3A_81 : vector<16xi32>
    %gather3A_83 = tpu.vector_load_idx %arg6[%sub3A_22, %add3A_82] : memref<16x256xf32, #tpu.memory_space<vmem>>[vector<16xi32>, vector<16xi32>], vector<16xf32>,
    %add3A_84 = arith.constant 1 : i32
    %add3A_85 = vector.broadcast %add3A_84 : i32 to vector<16xi32>
    %add3A_86 = arith.addi %sub3A_22, %add3A_85 : vector<16xi32>
    %gather3A_87 = tpu.vector_load_idx %arg6[%add3A_86, %add3A_82] : memref<16x256xf32, #tpu.memory_space<vmem>>[vector<16xi32>, vector<16xi32>], vector<16xf32>,
    %sub3A_88 = arith.subf %gather3A_87, %gather3A_83 : vector<16xf32>
    %mul3A_89 = arith.mulf %select_n3A, %sub3A_88 : vector<16xf32>
    %add3A_90 = arith.addf %gather3A_83, %mul3A_89 : vector<16xf32>
    %swap3A_91 = arith.constant 64 : index
    %swap3A_92 = tpu.vector_load %arg7[%swap3A_91] {strides = array<i32>} : memref<256xf32, #tpu.memory_space<vmem>>, vector<16xf32>,
    tpu.vector_store %arg7[%swap3A_91], %add3A_90 {strides = array<i32>} : memref<256xf32, #tpu.memory_space<vmem>>, vector<16xf32>,
    %add3A_93 = arith.constant 80 : i32
    %add3A_94 = vector.broadcast %add3A_93 : i32 to vector<16xi32>
    %add3A_95 = arith.addi %iota3A, %add3A_94 : vector<16xi32>
    %gather3A_96 = tpu.vector_load_idx %arg6[%sub3A_22, %add3A_95] : memref<16x256xf32, #tpu.memory_space<vmem>>[vector<16xi32>, vector<16xi32>], vector<16xf32>,
    %add3A_97 = arith.constant 1 : i32
    %add3A_98 = vector.broadcast %add3A_97 : i32 to vector<16xi32>
    %add3A_99 = arith.addi %sub3A_22, %add3A_98 : vector<16xi32>
    %gather3A_100 = tpu.vector_load_idx %arg6[%add3A_99, %add3A_95] : memref<16x256xf32, #tpu.memory_space<vmem>>[vector<16xi32>, vector<16xi32>], vector<16xf32>,
    %sub3A_101 = arith.subf %gather3A_100, %gather3A_96 : vector<16xf32>
    %mul3A_102 = arith.mulf %select_n3A, %sub3A_101 : vector<16xf32>
    %add3A_103 = arith.addf %gather3A_96, %mul3A_102 : vector<16xf32>
    %swap3A_104 = arith.constant 80 : index
    %swap3A_105 = tpu.vector_load %arg7[%swap3A_104] {strides = array<i32>} : memref<256xf32, #tpu.memory_space<vmem>>, vector<16xf32>,
    tpu.vector_store %arg7[%swap3A_104], %add3A_103 {strides = array<i32>} : memref<256xf32, #tpu.memory_space<vmem>>, vector<16xf32>,
    %add3A_106 = arith.constant 96 : i32
    %add3A_107 = vector.broadcast %add3A_106 : i32 to vector<16xi32>
    %add3A_108 = arith.addi %iota3A, %add3A_107 : vector<16xi32>
    %gather3A_109 = tpu.vector_load_idx %arg6[%sub3A_22, %add3A_108] : memref<16x256xf32, #tpu.memory_space<vmem>>[vector<16xi32>, vector<16xi32>], vector<16xf32>,
    %add3A_110 = arith.constant 1 : i32
    %add3A_111 = vector.broadcast %add3A_110 : i32 to vector<16xi32>
    %add3A_112 = arith.addi %sub3A_22, %add3A_111 : vector<16xi32>
    %gather3A_113 = tpu.vector_load_idx %arg6[%add3A_112, %add3A_108] : memref<16x256xf32, #tpu.memory_space<vmem>>[vector<16xi32>, vector<16xi32>], vector<16xf32>,
    %sub3A_114 = arith.subf %gather3A_113, %gather3A_109 : vector<16xf32>
    %mul3A_115 = arith.mulf %select_n3A, %sub3A_114 : vector<16xf32>
    %add3A_116 = arith.addf %gather3A_109, %mul3A_115 : vector<16xf32>
    %swap3A_117 = arith.constant 96 : index
    %swap3A_118 = tpu.vector_load %arg7[%swap3A_117] {strides = array<i32>} : memref<256xf32, #tpu.memory_space<vmem>>, vector<16xf32>,
    tpu.vector_store %arg7[%swap3A_117], %add3A_116 {strides = array<i32>} : memref<256xf32, #tpu.memory_space<vmem>>, vector<16xf32>,
    %add3A_119 = arith.constant 112 : i32
    %add3A_120 = vector.broadcast %add3A_119 : i32 to vector<16xi32>
    %add3A_121 = arith.addi %iota3A, %add3A_120 : vector<16xi32>
    %gather3A_122 = tpu.vector_load_idx %arg6[%sub3A_22, %add3A_121] : memref<16x256xf32, #tpu.memory_space<vmem>>[vector<16xi32>, vector<16xi32>], vector<16xf32>,
    %add3A_123 = arith.constant 1 : i32
    %add3A_124 = vector.broadcast %add3A_123 : i32 to vector<16xi32>
    %add3A_125 = arith.addi %sub3A_22, %add3A_124 : vector<16xi32>
    %gather3A_126 = tpu.vector_load_idx %arg6[%add3A_125, %add3A_121] : memref<16x256xf32, #tpu.memory_space<vmem>>[vector<16xi32>, vector<16xi32>], vector<16xf32>,
    %sub3A_127 = arith.subf %gather3A_126, %gather3A_122 : vector<16xf32>
    %mul3A_128 = arith.mulf %select_n3A, %sub3A_127 : vector<16xf32>
    %add3A_129 = arith.addf %gather3A_122, %mul3A_128 : vector<16xf32>
    %swap3A_130 = arith.constant 112 : index
    %swap3A_131 = tpu.vector_load %arg7[%swap3A_130] {strides = array<i32>} : memref<256xf32, #tpu.memory_space<vmem>>, vector<16xf32>,
    tpu.vector_store %arg7[%swap3A_130], %add3A_129 {strides = array<i32>} : memref<256xf32, #tpu.memory_space<vmem>>, vector<16xf32>,
    %add3A_132 = arith.constant 128 : i32
    %add3A_133 = vector.broadcast %add3A_132 : i32 to vector<16xi32>
    %add3A_134 = arith.addi %iota3A, %add3A_133 : vector<16xi32>
    %gather3A_135 = tpu.vector_load_idx %arg6[%sub3A_22, %add3A_134] : memref<16x256xf32, #tpu.memory_space<vmem>>[vector<16xi32>, vector<16xi32>], vector<16xf32>,
    %add3A_136 = arith.constant 1 : i32
    %add3A_137 = vector.broadcast %add3A_136 : i32 to vector<16xi32>
    %add3A_138 = arith.addi %sub3A_22, %add3A_137 : vector<16xi32>
    %gather3A_139 = tpu.vector_load_idx %arg6[%add3A_138, %add3A_134] : memref<16x256xf32, #tpu.memory_space<vmem>>[vector<16xi32>, vector<16xi32>], vector<16xf32>,
    %sub3A_140 = arith.subf %gather3A_139, %gather3A_135 : vector<16xf32>
    %mul3A_141 = arith.mulf %select_n3A, %sub3A_140 : vector<16xf32>
    %add3A_142 = arith.addf %gather3A_135, %mul3A_141 : vector<16xf32>
    %swap3A_143 = arith.constant 128 : index
    %swap3A_144 = tpu.vector_load %arg7[%swap3A_143] {strides = array<i32>} : memref<256xf32, #tpu.memory_space<vmem>>, vector<16xf32>,
    tpu.vector_store %arg7[%swap3A_143], %add3A_142 {strides = array<i32>} : memref<256xf32, #tpu.memory_space<vmem>>, vector<16xf32>,
    %add3A_145 = arith.constant 144 : i32
    %add3A_146 = vector.broadcast %add3A_145 : i32 to vector<16xi32>
    %add3A_147 = arith.addi %iota3A, %add3A_146 : vector<16xi32>
    %gather3A_148 = tpu.vector_load_idx %arg6[%sub3A_22, %add3A_147] : memref<16x256xf32, #tpu.memory_space<vmem>>[vector<16xi32>, vector<16xi32>], vector<16xf32>,
    %add3A_149 = arith.constant 1 : i32
    %add3A_150 = vector.broadcast %add3A_149 : i32 to vector<16xi32>
    %add3A_151 = arith.addi %sub3A_22, %add3A_150 : vector<16xi32>
    %gather3A_152 = tpu.vector_load_idx %arg6[%add3A_151, %add3A_147] : memref<16x256xf32, #tpu.memory_space<vmem>>[vector<16xi32>, vector<16xi32>], vector<16xf32>,
    %sub3A_153 = arith.subf %gather3A_152, %gather3A_148 : vector<16xf32>
    %mul3A_154 = arith.mulf %select_n3A, %sub3A_153 : vector<16xf32>
    %add3A_155 = arith.addf %gather3A_148, %mul3A_154 : vector<16xf32>
    %swap3A_156 = arith.constant 144 : index
    %swap3A_157 = tpu.vector_load %arg7[%swap3A_156] {strides = array<i32>} : memref<256xf32, #tpu.memory_space<vmem>>, vector<16xf32>,
    tpu.vector_store %arg7[%swap3A_156], %add3A_155 {strides = array<i32>} : memref<256xf32, #tpu.memory_space<vmem>>, vector<16xf32>,
    %add3A_158 = arith.constant 160 : i32
    %add3A_159 = vector.broadcast %add3A_158 : i32 to vector<16xi32>
    %add3A_160 = arith.addi %iota3A, %add3A_159 : vector<16xi32>
    %gather3A_161 = tpu.vector_load_idx %arg6[%sub3A_22, %add3A_160] : memref<16x256xf32, #tpu.memory_space<vmem>>[vector<16xi32>, vector<16xi32>], vector<16xf32>,
    %add3A_162 = arith.constant 1 : i32
    %add3A_163 = vector.broadcast %add3A_162 : i32 to vector<16xi32>
    %add3A_164 = arith.addi %sub3A_22, %add3A_163 : vector<16xi32>
    %gather3A_165 = tpu.vector_load_idx %arg6[%add3A_164, %add3A_160] : memref<16x256xf32, #tpu.memory_space<vmem>>[vector<16xi32>, vector<16xi32>], vector<16xf32>,
    %sub3A_166 = arith.subf %gather3A_165, %gather3A_161 : vector<16xf32>
    %mul3A_167 = arith.mulf %select_n3A, %sub3A_166 : vector<16xf32>
    %add3A_168 = arith.addf %gather3A_161, %mul3A_167 : vector<16xf32>
    %swap3A_169 = arith.constant 160 : index
    %swap3A_170 = tpu.vector_load %arg7[%swap3A_169] {strides = array<i32>} : memref<256xf32, #tpu.memory_space<vmem>>, vector<16xf32>,
    tpu.vector_store %arg7[%swap3A_169], %add3A_168 {strides = array<i32>} : memref<256xf32, #tpu.memory_space<vmem>>, vector<16xf32>,
    %add3A_171 = arith.constant 176 : i32
    %add3A_172 = vector.broadcast %add3A_171 : i32 to vector<16xi32>
    %add3A_173 = arith.addi %iota3A, %add3A_172 : vector<16xi32>
    %gather3A_174 = tpu.vector_load_idx %arg6[%sub3A_22, %add3A_173] : memref<16x256xf32, #tpu.memory_space<vmem>>[vector<16xi32>, vector<16xi32>], vector<16xf32>,
    %add3A_175 = arith.constant 1 : i32
    %add3A_176 = vector.broadcast %add3A_175 : i32 to vector<16xi32>
    %add3A_177 = arith.addi %sub3A_22, %add3A_176 : vector<16xi32>
    %gather3A_178 = tpu.vector_load_idx %arg6[%add3A_177, %add3A_173] : memref<16x256xf32, #tpu.memory_space<vmem>>[vector<16xi32>, vector<16xi32>], vector<16xf32>,
    %sub3A_179 = arith.subf %gather3A_178, %gather3A_174 : vector<16xf32>
    %mul3A_180 = arith.mulf %select_n3A, %sub3A_179 : vector<16xf32>
    %add3A_181 = arith.addf %gather3A_174, %mul3A_180 : vector<16xf32>
    %swap3A_182 = arith.constant 176 : index
    %swap3A_183 = tpu.vector_load %arg7[%swap3A_182] {strides = array<i32>} : memref<256xf32, #tpu.memory_space<vmem>>, vector<16xf32>,
    tpu.vector_store %arg7[%swap3A_182], %add3A_181 {strides = array<i32>} : memref<256xf32, #tpu.memory_space<vmem>>, vector<16xf32>,
    %add3A_184 = arith.constant 192 : i32
    %add3A_185 = vector.broadcast %add3A_184 : i32 to vector<16xi32>
    %add3A_186 = arith.addi %iota3A, %add3A_185 : vector<16xi32>
    %gather3A_187 = tpu.vector_load_idx %arg6[%sub3A_22, %add3A_186] : memref<16x256xf32, #tpu.memory_space<vmem>>[vector<16xi32>, vector<16xi32>], vector<16xf32>,
    %add3A_188 = arith.constant 1 : i32
    %add3A_189 = vector.broadcast %add3A_188 : i32 to vector<16xi32>
    %add3A_190 = arith.addi %sub3A_22, %add3A_189 : vector<16xi32>
    %gather3A_191 = tpu.vector_load_idx %arg6[%add3A_190, %add3A_186] : memref<16x256xf32, #tpu.memory_space<vmem>>[vector<16xi32>, vector<16xi32>], vector<16xf32>,
    %sub3A_192 = arith.subf %gather3A_191, %gather3A_187 : vector<16xf32>
    %mul3A_193 = arith.mulf %select_n3A, %sub3A_192 : vector<16xf32>
    %add3A_194 = arith.addf %gather3A_187, %mul3A_193 : vector<16xf32>
    %swap3A_195 = arith.constant 192 : index
    %swap3A_196 = tpu.vector_load %arg7[%swap3A_195] {strides = array<i32>} : memref<256xf32, #tpu.memory_space<vmem>>, vector<16xf32>,
    tpu.vector_store %arg7[%swap3A_195], %add3A_194 {strides = array<i32>} : memref<256xf32, #tpu.memory_space<vmem>>, vector<16xf32>,
    %add3A_197 = arith.constant 208 : i32
    %add3A_198 = vector.broadcast %add3A_197 : i32 to vector<16xi32>
    %add3A_199 = arith.addi %iota3A, %add3A_198 : vector<16xi32>
    %gather3A_200 = tpu.vector_load_idx %arg6[%sub3A_22, %add3A_199] : memref<16x256xf32, #tpu.memory_space<vmem>>[vector<16xi32>, vector<16xi32>], vector<16xf32>,
    %add3A_201 = arith.constant 1 : i32
    %add3A_202 = vector.broadcast %add3A_201 : i32 to vector<16xi32>
    %add3A_203 = arith.addi %sub3A_22, %add3A_202 : vector<16xi32>
    %gather3A_204 = tpu.vector_load_idx %arg6[%add3A_203, %add3A_199] : memref<16x256xf32, #tpu.memory_space<vmem>>[vector<16xi32>, vector<16xi32>], vector<16xf32>,
    %sub3A_205 = arith.subf %gather3A_204, %gather3A_200 : vector<16xf32>
    %mul3A_206 = arith.mulf %select_n3A, %sub3A_205 : vector<16xf32>
    %add3A_207 = arith.addf %gather3A_200, %mul3A_206 : vector<16xf32>
    %swap3A_208 = arith.constant 208 : index
    %swap3A_209 = tpu.vector_load %arg7[%swap3A_208] {strides = array<i32>} : memref<256xf32, #tpu.memory_space<vmem>>, vector<16xf32>,
    tpu.vector_store %arg7[%swap3A_208], %add3A_207 {strides = array<i32>} : memref<256xf32, #tpu.memory_space<vmem>>, vector<16xf32>,
    %add3A_210 = arith.constant 224 : i32
    %add3A_211 = vector.broadcast %add3A_210 : i32 to vector<16xi32>
    %add3A_212 = arith.addi %iota3A, %add3A_211 : vector<16xi32>
    %gather3A_213 = tpu.vector_load_idx %arg6[%sub3A_22, %add3A_212] : memref<16x256xf32, #tpu.memory_space<vmem>>[vector<16xi32>, vector<16xi32>], vector<16xf32>,
    %add3A_214 = arith.constant 1 : i32
    %add3A_215 = vector.broadcast %add3A_214 : i32 to vector<16xi32>
    %add3A_216 = arith.addi %sub3A_22, %add3A_215 : vector<16xi32>
    %gather3A_217 = tpu.vector_load_idx %arg6[%add3A_216, %add3A_212] : memref<16x256xf32, #tpu.memory_space<vmem>>[vector<16xi32>, vector<16xi32>], vector<16xf32>,
    %sub3A_218 = arith.subf %gather3A_217, %gather3A_213 : vector<16xf32>
    %mul3A_219 = arith.mulf %select_n3A, %sub3A_218 : vector<16xf32>
    %add3A_220 = arith.addf %gather3A_213, %mul3A_219 : vector<16xf32>
    %swap3A_221 = arith.constant 224 : index
    %swap3A_222 = tpu.vector_load %arg7[%swap3A_221] {strides = array<i32>} : memref<256xf32, #tpu.memory_space<vmem>>, vector<16xf32>,
    tpu.vector_store %arg7[%swap3A_221], %add3A_220 {strides = array<i32>} : memref<256xf32, #tpu.memory_space<vmem>>, vector<16xf32>,
    %add3A_223 = arith.constant 240 : i32
    %add3A_224 = vector.broadcast %add3A_223 : i32 to vector<16xi32>
    %add3A_225 = arith.addi %iota3A, %add3A_224 : vector<16xi32>
    %gather3A_226 = tpu.vector_load_idx %arg6[%sub3A_22, %add3A_225] : memref<16x256xf32, #tpu.memory_space<vmem>>[vector<16xi32>, vector<16xi32>], vector<16xf32>,
    %add3A_227 = arith.constant 1 : i32
    %add3A_228 = vector.broadcast %add3A_227 : i32 to vector<16xi32>
    %add3A_229 = arith.addi %sub3A_22, %add3A_228 : vector<16xi32>
    %gather3A_230 = tpu.vector_load_idx %arg6[%add3A_229, %add3A_225] : memref<16x256xf32, #tpu.memory_space<vmem>>[vector<16xi32>, vector<16xi32>], vector<16xf32>,
    %sub3A_231 = arith.subf %gather3A_230, %gather3A_226 : vector<16xf32>
    %mul3A_232 = arith.mulf %select_n3A, %sub3A_231 : vector<16xf32>
    %add3A_233 = arith.addf %gather3A_226, %mul3A_232 : vector<16xf32>
    %swap3A_234 = arith.constant 240 : index
    %swap3A_235 = tpu.vector_load %arg7[%swap3A_234] {strides = array<i32>} : memref<256xf32, #tpu.memory_space<vmem>>, vector<16xf32>,
    tpu.vector_store %arg7[%swap3A_234], %add3A_233 {strides = array<i32>} : memref<256xf32, #tpu.memory_space<vmem>>, vector<16xf32>,
    "tpu.region"() ({
      %run_scoped3A = tpu.sem_alloc : memref<!tpu.dma_semaphore, #tpu.memory_space<semaphore_mem>>
      %dma_start3A = tpu.memref_slice %arg4[%mul3A_2] : memref<4096xf32, #tpu.memory_space<hbm>> -> memref<256xf32, #tpu.memory_space<hbm>>
      %dma_start3A_236 = tpu.memref_slice %arg4[%mul3A_2] : memref<4096xf32, #tpu.memory_space<hbm>> -> memref<256xf32, #tpu.memory_space<hbm>>
      tpu.enqueue_dma source(%arg7 : memref<256xf32, #tpu.memory_space<vmem>>) target(%dma_start3A_236 : memref<256xf32, #tpu.memory_space<hbm>>) target_semaphore(%run_scoped3A : memref<!tpu.dma_semaphore, #tpu.memory_space<semaphore_mem>>)
      %dma_wait3A = tpu.memref_slice %arg4[%mul3A_2] : memref<4096xf32, #tpu.memory_space<hbm>> -> memref<256xf32, #tpu.memory_space<hbm>>
      %dma_wait3A_237 = tpu.memref_slice %arg4[%mul3A_2] : memref<4096xf32, #tpu.memory_space<hbm>> -> memref<256xf32, #tpu.memory_space<hbm>>
      tpu.wait_dma2 semaphore(%run_scoped3A : memref<!tpu.dma_semaphore, #tpu.memory_space<semaphore_mem>>) src(%arg7 : memref<256xf32, #tpu.memory_space<vmem>>) dst(%dma_wait3A_237 : memref<256xf32, #tpu.memory_space<hbm>>)
      tpu.yield
    }) : () -> ()
    return
  }
}

</mosaic_0001>

<sc_bundles>
// kernel: kernel.3.cloned.1.call-start
scs
__scs_entry_jumppad:
0x0: {  	(pc) =	sbr.rel $0x88, $3  }
0x1: {  	(tag) =	ssettag $0x0;
	lr =	simm.s32 $0x1  }
0x2: {  	[smem:$0x3F9F] =	sst lr;
	_ =	strace $0xD0000000  }
0x3: {  	_ = 	snop  }
0x4: {  	_ = 	snop  }
0x5: {  	_ = 	snop  }
0x6: {  	_ = 	snop  }
0x7: {  	_ = 	snop  }
__scs_overlays_trampoline_lowered:
0x8: {  	[smem:$0x3FAE] =	sst s0  }
0x9: {  	[smem:$0x3FAF] =	sst s1  }
0xa: {  	[smem:$0x3FB0] =	sst s2  }
0xb: {  	[smem:$0x3FB1] =	sst s3  }
0xc: {  	[smem:$0x3FB2] =	sst s4  }
0xd: {  	[smem:$0x3FB3] =	sst s5  }
0xe: {  	[smem:$0x3FB4] =	sst s6  }
0xf: {  	[smem:$0x3FB5] =	sst s7  }
0x10: {  	[smem:$0x3FB6] =	sst s8  }
0x11: {  	[smem:$0x3FB7] =	sst s9;
	s0 =	simm.s32 @!p0 $0x0  }
0x12: {  	s1 =	sld [smem:$0x3F9D];
	s0 =	simm.s32 @p0 $0x1  }
0x13: {  	[smem:$0x3FB8] =	sst s0;
	s0 =	simm.s32 @!p1 $0x0  }
0x14: {  	s2 =	sld [smem:$0x3F9C];
	s0 =	simm.s32 @p1 $0x1  }
0x15: {  	[smem:$0x3FB9] =	sst s0;
	s0 =	simm.s32 @!p2 $0x0  }
0x16: {  	s3 =	sld [smem:$0x3FDB];
	s0 =	simm.s32 @p2 $0x1  }
0x17: {  	s4 =	simm.s32 $0x1BF5;
	[smem:$0x3FBB] =	sst s0  }
0x18: {  	s0 =	sld [smem:$0x3F9E];
	_ =	swait.ge [sflag:s4], $0x0  }
0x19: {  	s7 =	sld [smem:$0x3F9F]  }
0x1a: {  	s8 =	sadd.s32 $0xFFFFE003, lr  }
0x1b: {  	s9 =	sadd.s32 $0xFFFFFEF7, lr;
	s5 =	simm.s32 $0xFFFFFFFF;
	p2 =	slt.u32 s8, $0xFFFFF086  }
0x1c: {  	p1 =	slt.u32 s9, $0xF7A;
	s5 =	simm.s32 @!p2 $0x0  }
0x1d: {  	s5 =	simm.s32 @p1 $0x1;
	p0 =	seq.s32 s7, s2  }
0x1e: {  	s7 =	smul.u32 @!p0 $0xF7A, s2;
	p2 =	seq.s32 @!p0 s5, $0x0  }
0x1f: {  	s9 =	smul.u32 $0xF7A, s1;
	s8 =	simm.s32 @!p0 $0x1BF5;
	p2 =	por !p2, p0  }
0x20: {  	[sflag:s8] =	ssyncset.s32 @!p0 $0xFFFFF086;
	s6 =	sadd.s32 @!p0 s3, s7;
	s7 =	simm.s32 @!p0 $0x108  }
0x21: {  	s3 =	sadd.s32 s3, s9;
	s6 =	sadd.s32 @!p0 $0x88, s6;
	s7 =	simm.s32 @p2 $0x1082  }
0x22: {  	[simem:s7], [sflag:s8] =	dma.local @!p0 [hbm:s6], $0xF7A  }
0x23: {  	s9 =	sor.u32 $0xD0000000, s2;
	s6 =	simm.s32 $0x108;
	_ =	swait.ge @!p0 [sflag:s8], $0x0  }
0x24: {  	s3 =	sadd.s32 $0x88, s3;
	s6 =	simm.s32 @!p1 $0x1082;
	[sflag:s4] =	ssyncset.s32 $0xFFFFF086  }
0x25: {  	[simem:s6], [sflag:s4] =	dma.local [hbm:s3], $0xF7A  }
0x26: {  	[smem:$0x3F9F] =	sst s1;
	(tag) =	ssettag s2;
	_ =	strace s9  }
0x27: {  	s1 =	sld [smem:$0x3FAF]  }
0x28: {  	s2 =	sld [smem:$0x3FB0]  }
0x29: {  	s4 =	sld [smem:$0x3FB2]  }
0x2a: {  	p0 =	seq.s32 s5, $0x0;
	s5 =	sld [smem:$0x3FB3]  }
0x2b: {  	s6 =	sld [smem:$0x3FB4]  }
0x2c: {  	s7 =	sld [smem:$0x3FB5]  }
0x2d: {  	s3 =	simm.s32 $0x108;
	s8 =	sld [smem:$0x3FB6]  }
0x2e: {  	s3 =	simm.s32 @!p0 $0x1082;
	s9 =	sld [smem:$0x3FB7]  }
0x2f: {  	lr =	sadd.s32 s0, s3;
	s0 =	sld [smem:$0x3FAE]  }
0x30: {  	s3 =	sld [smem:$0x3FB1]  }
0x31: {  	[smem:$0x3FBA] =	sst s10  }
0x32: {  	s10 =	sld [smem:$0x3FB8];
	_ =	sdelay $0x3  }
0x33: {  	p0 =	seq.s32 s10, $0x1;
	s10 =	sld [smem:$0x3FBA];
	_ =	sdelay $0x3  }
0x34: {  	[smem:$0x3FBA] =	sst s10  }
0x35: {  	s10 =	sld [smem:$0x3FB9];
	_ =	sdelay $0x3  }
0x36: {  	p1 =	seq.s32 s10, $0x1;
	s10 =	sld [smem:$0x3FBA];
	_ =	sdelay $0x3  }
0x37: {  	[smem:$0x3FBA] =	sst s10  }
0x38: {  	s10 =	sld [smem:$0x3FBB]  }
0x39: {  	_ = 	snop;
	(pc) =	sbr.ind lr, $3  }
0x3a: {  	_ = 	snop  }
0x3b: {  	_ = 	snop  }
0x3c: {  	p2 =	seq.s32 s10, $0x1;
	s10 =	sld [smem:$0x3FBA]  }
0x3d: {  	_ =	shalt  }
0x3e: {  	_ =	shalt  }
0x3f: {  	_ =	shalt  }
0x40: {  	_ =	shalt  }
0x41: {  	_ =	shalt  }
0x42: {  	_ =	shalt  }
0x43: {  	_ =	shalt  }
0x44: {  	_ =	shalt  }
0x45: {  	_ =	shalt  }
0x46: {  	_ =	shalt  }
0x47: {  	_ =	shalt  }
0x48: {  	_ =	shalt  }
0x49: {  	_ =	shalt  }
0x4a: {  	_ =	shalt  }
0x4b: {  	_ =	shalt  }
0x4c: {  	_ =	shalt  }
0x4d: {  	_ =	shalt  }
0x4e: {  	_ =	shalt  }
0x4f: {  	_ =	shalt  }
0x50: {  	_ =	shalt  }
0x51: {  	_ =	shalt  }
0x52: {  	_ =	shalt  }
0x53: {  	_ =	shalt  }
0x54: {  	_ =	shalt  }
0x55: {  	_ =	shalt  }
0x56: {  	_ =	shalt  }
0x57: {  	_ =	shalt  }
0x58: {  	_ =	shalt  }
0x59: {  	_ =	shalt  }
0x5a: {  	_ =	shalt  }
0x5b: {  	_ =	shalt  }
0x5c: {  	_ =	shalt  }
0x5d: {  	_ =	shalt  }
0x5e: {  	_ =	shalt  }
0x5f: {  	_ =	shalt  }
0x60: {  	_ =	shalt  }
0x61: {  	_ =	shalt  }
0x62: {  	_ =	shalt  }
0x63: {  	_ =	shalt  }
0x64: {  	_ =	shalt  }
0x65: {  	_ =	shalt  }
0x66: {  	_ =	shalt  }
0x67: {  	_ =	shalt  }
0x68: {  	_ =	shalt  }
0x69: {  	_ =	shalt  }
0x6a: {  	_ =	shalt  }
0x6b: {  	_ =	shalt  }
0x6c: {  	_ =	shalt  }
0x6d: {  	_ =	shalt  }
0x6e: {  	_ =	shalt  }
0x6f: {  	_ =	shalt  }
0x70: {  	_ =	shalt  }
0x71: {  	_ =	shalt  }
0x72: {  	_ =	shalt  }
0x73: {  	_ =	shalt  }
0x74: {  	_ =	shalt  }
0x75: {  	_ =	shalt  }
0x76: {  	_ =	shalt  }
0x77: {  	_ =	shalt  }
0x78: {  	_ =	shalt  }
0x79: {  	_ =	shalt  }
0x7a: {  	_ =	shalt  }
0x7b: {  	_ =	shalt  }
0x7c: {  	_ =	shalt  }
0x7d: {  	_ =	shalt  }
0x7e: {  	_ =	shalt  }
0x7f: {  	_ =	shalt  }
0x80: {  	_ =	shalt  }
0x81: {  	_ =	shalt  }
0x82: {  	_ =	shalt  }
0x83: {  	_ =	shalt  }
0x84: {  	_ =	shalt  }
0x85: {  	_ =	shalt  }
0x86: {  	_ =	shalt  }
0x87: {  	_ =	shalt  }
.Lfunc_end0:
.L_simem_size_0:
called_computation_lowered:
.L_overlay_start_0:
0x88: {  	s0 =	sld [smem:$0x3FD9]  }
0x89: {  	s1 =	sld [smem:$0x3FFE];
	_ =	sdelay $0x3  }
0x8a: {  	s0 =	sadd.s32 s1, s0  }
0x8b: {  	[smem:$0x3FC6] =	sst s0  }
0x8c: {  	_ = 	snop  }
0x8d: {  	s0 =	sld [smem:$0x3FC8]  }
0x8e: {  	s16 =	sld [smem:$0x3FD0];
	(tm) =	ssettm $0x1  }
0x8f: {  	s2 =	sld [smem:$0x3FFB];
	_ =	sdelay $0x3  }
0x90: {  	_ =	strace s2  }
0x91: {  	s2 =	sld [smem:$0x3FFC];
	_ =	sdelay $0x3  }
0x92: {  	_ =	strace s2  }
0x93: {  	s2 =	sld [smem:$0x3FFD];
	_ =	sdelay $0x3  }
0x94: {  	_ =	strace s2  }
0x95: {  	_ =	strace $0x8FFFFFFF  }
0x96: {  	s17 =	sld [smem:$0x3FDB];
	_ =	sdelay $0x1  }
0x97: {  	s3 =	simm.s32 $_scs_section_size  }
0x98: {  	s4 =	simm.s32 $_size__tile_overlayer_lowered;
	s5 =	simm.s32 $_tile_overlayer_lowered  }
0x99: {  	s20 =	simm.s32 $0x1BFF;
	s19 =	sshll.u32 s5, $0x1;
	s2 =	sadd.s32 s3, s17  }
0x9a: {  	s6 =	simm.s32 $0x0;
	s18 =	sshll.u32 s4, $0x1;
	s4 =	sadd.s32 s19, s2  }
0x9b: {  	[timem:s6], [sflag:s20] =	dma.local [hbm:s4], s18  }
0x9c: {  	_ =	swait.ge [sflag:s20], s18  }
0x9d: {  	s3 =	ssub.s32 $0x0, s18;
	[sflag:s20] =	ssyncset.done $0x0  }
0x9e: {  	[sflag:s20] =	ssyncadd.s32 s3;
	_ =	sdelay $0x1  }
0x9f: {  	s21 =	simm.s32 $0x1B8B  }
0xa0: {  	_ =	swait.ge [sflag:s21], $0x1  }
0xa1: {  	[sflag:s21] =	ssyncset.done $0x0  }
0xa2: {  	s23 =	simm.s32 $0x1B8E;
	s22 =	sld [smem:$0x3FFE];
	[sflag:s21] =	ssyncadd.s32 $0xFFFFFFFF  }
0xa3: {  	s24 =	simm.s32 $execute0_lowered;
	[smem:$0x3FD2] =	sst s23  }
0xa4: {  	s4 =	sshll.u32 s24, $0x1;
	_ =	strace $0x80000046;
	[dreg:$0x1] =	wrdreg $0xFFFFFFFF  }
0xa5: {  	s25 =	simm.s32 $_size_execute0_lowered;
	s2 =	sadd.s32 s2, s4;
	[dreg:$0x0] =	wrdreg $0x0  }
0xa6: {  	s4 =	sshll.u32 s25, $0x1;
	[dreg:$0x2] =	wrdreg s2  }
0xa7: {  	[dreg:$0x3] =	wrdreg s4  }
0xa8: {  	[dreg:$0x4] =	wrdreg $0xC0  }
0xa9: {  	_ =	task [dreg:s6], $0x5FFFF  }
0xaa: {  	[dreg:$0x1] =	wrdreg $0xFFFFFFFF  }
0xab: {  	[dreg:$0x0] =	wrdreg $0x60  }
0xac: {  	[dreg:$0x2] =	wrdreg s22  }
0xad: {  	[dreg:$0x3] =	wrdreg s0  }
0xae: {  	[dreg:$0x4] =	wrdreg s16  }
0xaf: {  	[dreg:$0x5] =	wrdreg $0x9  }
0xb0: {  	_ =	task.clear_ibuf [dreg:s6], $0x6FFFF;
	_ =	strace $0x90000046  }
0xb1: {  	s26 =	simm.s32 $0x9;
	_ =	strace $0x80000048  }
0xb2: {  	_ =	swait.ge [sflag:s26], $0x1  }
0xb3: {  	[sflag:s26] =	ssyncadd.s32 $0xFFFFFFFF  }
0xb4: {  	_ =	strace $0x90000048  }
0xb5: {  	_ =	sfence  }
0xb6: {  	s28 =	sld [smem:$0x0];
	_ =	sdelay $0x1  }
0xb7: {  	s29 =	srdreg.scid  }
0xb8: {  	s30 =	sshll.u32 s29, $0xD;
	s31 =	sshrl.u32 s29, $0x2  }
0xb9: {  	s1 =	sand.u32 $0x1, s29;
	s2 =	sand.u32 $0x4000, s30;
	s0 =	sadd.s32 s31, s28  }
0xba: {  	s1 =	sor.u32 s2, s1;
	s0 =	sshll.u32 s0, $0x11  }
0xbb: {  	s0 =	sor.u32 s0, s1  }
0xbc: {  	s0 =	sadd.s32 $0x8F2B, s0  }
0xbd: {  	[sflag:s0] =	ssyncadd.remote.s32 $0x1  }
0xbe: {  	_ =	sfence.sel $0xFFFF  }
0xbf: {  	[dreg:$0x0] =	wrdreg $0xFFFFFFFF;
	(pc) =	sbr.abs _section_cstart, $3  }
0xc0: {  	[dreg:$0x1] =	wrdreg $0xFFFFFFFF  }
0xc1: {  	_ =	task.clear_ibuf [dreg:s6], $0x2FFFF;
	_ =	strace $0x9FFFFFFF  }
0xc2: {  	(tm) =	ssettm $0x7FFFFFFF  }
0xc3: {  	_ =	shalt  }
tec
execute0_lowered:
.L_overlay_start_1:
0x0: {  	(tag) =	ssettag $0x1  }
0x1: {  	s3 =	rddreg [dreg:$0x0]  }
0x2: {  	s5 =	rddreg [dreg:$0x1]  }
0x3: {  	s2 =	rddreg [dreg:$0x2]  }
0x4: {  	s0 =	rddreg [dreg:$0x3];
	s1 =	simm.s32 $0x0  }
0x5: {  	[smem:$0x7FF] =	sst s1  }
0x6: {  	s26 =	simm.s32 $0x1;
	s3 =	sadd.s32 $0x400, s3;
	_ =	strace $0x80000047  }
0x7: {  	[tilespmem:s1], [sflag:$0x1] =	stream.linear.gather [hbm4b:s3+s1], $0x80, $0x38;
	[tilespmem:$0x1180] =	vst v63  }
0x8: {  	_ =	swait.ge [sflag:s26], $0x80  }
0x9: {  	[sflag:s26] =	ssyncset.done $0x0  }
0xa: {  	[sflag:s26] =	ssyncadd.s32 $0xFFFFFF80  }
0xb: {  	v0 =	vld [tilespmem:$0x0];
	_ =	sdelay $0x4  }
0xc: {  	v0 =	vadd.f32 $1.000000000e+00, v0;
	_ =	sdelay $0x1  }
0xd: {  	v3 =	vmul.f32 $4.995000000e+02, v0;
	_ =	sdelay $0x1  }
0xe: {  	v0 =	vtrunc.f32 v3  }
0xf: {  	v4 =	vcvt.f32.s32 v0;
	_ =	sdelay $0x1  }
0x10: {  	vm0 =	vgt.s32 v4, $0x0  }
0x11: {  	v5 =	vnsel vm0, $0x0, v4  }
0x12: {  	v17 =	vmin.u32 v5, $0x3E6  }
0x13: {  	v1 =	vand.u32 $0x3F8, v17  }
0x14: {  	v1 =	vmin.u32 v1, $0x3D8  }
0x15: {  	v2 =	vor.u32 $0x80000000, v1  }
0x16: {  	(xrf0) =	vmax.scan.msk.u32 $0xffff, v2;
	_ =	sdelay $0x5  }
0x17: {  	v2, _, _ =	vpop (xrf0)  }
0x18: {  	(v2sf) =	vpush v2, $0xF;
	_ =	sdelay $0xe  }
0x19: {  	s6 =	spop (v2sf)  }
0x1a: {  	s4 =	stileid.u32;
	v20 =	vlaneseq.u32;
	v0 =	vshll.u32 v17, $0x7;
	v1 =	vsub.s32 v17, v1;
	s6 =	sshll.u32 s6, $0xC  }
0x1b: {  	s7 =	sshll.u32 s4, $0xB;
	v0 =	vand.u32 $0x380, v0;
	v18 =	vshll.u32 v1, $0x8;
	v1 =	vadd.s32 $0x1, v1;
	s6 =	sand.u32 $0xFFFF8000, s6  }
0x1c: {  	v19 =	vshll.u32 v1, $0x8;
	v6 =	vshll.u32 v1, $0x7;
	v2 =	vand.u32 $0xFFFFF800, v18;
	s6 =	sor.u32 s7, s6  }
0x1d: {  	s28 =	simm.s32 $0x800;
	v6 =	vand.u32 $0x380, v6;
	v0 =	vor.u32 v0, v2;
	v2 =	vand.u32 $0xFFFFF800, v19;
	s6 =	sshrl.u32 s6, $0x3  }
0x1e: {  	s8 =	simm.s32 $0x8000;
	s29 =	simm.s32 $0x80;
	v7 =	vor.u32 v20, v0;
	v2 =	vor.u32 v6, v2;
	s6 =	sadd.s32 s5, s6  }
0x1f: {  	v6 =	vor.u32 v20, v2;
	[tilespmem:s29], [sflag:$0x1] =	stream.strided.gather [hbm4b:s6+s28], $0x1000, s8, s28, $0x38;
	[tilespmem:$0x1180] =	vst v63  }
0x20: {  	_ =	swait.ge [sflag:s26], $0x1000  }
0x21: {  	[sflag:s26] =	ssyncset.done $0x0  }
0x22: {  	[sflag:s26] =	ssyncadd.s32 $0xFFFFF000  }
0x23: {  	v7 =	vld.idx.msk [tilespmem:v7+s29+$0x0], $0xffff  }
0x24: {  	v6 =	vld.idx.msk [tilespmem:v6+s29+$0x0], $0xffff;
	_ =	sdelay $0x1  }
0x25: {  	v5 =	vcvt.s32.f32 v5;
	_ =	sdelay $0x1  }
0x26: {  	v3 =	vsub.f32 v3, v5  }
0x27: {  	vm15 =	vgt.s32 v4, $0x3E6;
	v21 =	vsub.f32 v6, v7  }
0x28: {  	v22 =	vor.u32 $0x10, v20;
	v3 =	vsel vm15, $0x3F800000, v3  }
0x29: {  	v23 =	vor.u32 v22, v0;
	v4 =	vmul.f32 v21, v3  }
0x2a: {  	v5 =	vor.u32 v22, v2  }
0x2b: {  	v4 =	vadd.f32 v4, v7;
	_ =	sdelay $0x1  }
0x2c: {  	[tilespmem:$0x1080] =	vst v4  }
0x2d: {  	v4 =	vld.idx.msk [tilespmem:v23+s29+$0x0], $0xffff  }
0x2e: {  	v5 =	vld.idx.msk [tilespmem:v5+s29+$0x0], $0xffff;
	_ =	sdelay $0x4  }
0x2f: {  	v5 =	vsub.f32 v5, v4  }
0x30: {  	v24 =	vor.u32 $0x20, v20  }
0x31: {  	v25 =	vor.u32 v24, v0;
	v5 =	vmul.f32 v5, v3  }
0x32: {  	v6 =	vor.u32 v24, v2  }
0x33: {  	v4 =	vadd.f32 v5, v4;
	_ =	sdelay $0x1  }
0x34: {  	[tilespmem:$0x1090] =	vst v4  }
0x35: {  	v4 =	vld.idx.msk [tilespmem:v25+s29+$0x0], $0xffff  }
0x36: {  	v26 =	vld.idx.msk [tilespmem:v6+s29+$0x0], $0xffff;
	_ =	sdelay $0x4  }
0x37: {  	v5 =	vsub.f32 v26, v4  }
0x38: {  	v27 =	vor.u32 $0x30, v20  }
0x39: {  	v28 =	vor.u32 v27, v0;
	v5 =	vmul.f32 v5, v3  }
0x3a: {  	v6 =	vor.u32 v27, v2  }
0x3b: {  	v4 =	vadd.f32 v5, v4;
	_ =	sdelay $0x1  }
0x3c: {  	[tilespmem:$0x10A0] =	vst v4  }
0x3d: {  	v4 =	vld.idx.msk [tilespmem:v28+s29+$0x0], $0xffff  }
0x3e: {  	v29 =	vld.idx.msk [tilespmem:v6+s29+$0x0], $0xffff;
	_ =	sdelay $0x4  }
0x3f: {  	v5 =	vsub.f32 v29, v4  }
0x40: {  	v30 =	vor.u32 $0x40, v20  }
0x41: {  	v31 =	vor.u32 v30, v0;
	v5 =	vmul.f32 v5, v3  }
0x42: {  	v6 =	vor.u32 v30, v2  }
0x43: {  	v4 =	vadd.f32 v5, v4;
	_ =	sdelay $0x1  }
0x44: {  	[tilespmem:$0x10B0] =	vst v4  }
0x45: {  	v4 =	vld.idx.msk [tilespmem:v31+s29+$0x0], $0xffff  }
0x46: {  	v32 =	vld.idx.msk [tilespmem:v6+s29+$0x0], $0xffff;
	_ =	sdelay $0x4  }
0x47: {  	v5 =	vsub.f32 v32, v4  }
0x48: {  	v33 =	vor.u32 $0x50, v20  }
0x49: {  	v34 =	vor.u32 v33, v0;
	v5 =	vmul.f32 v5, v3  }
0x4a: {  	v6 =	vor.u32 v33, v2  }
0x4b: {  	v4 =	vadd.f32 v5, v4;
	_ =	sdelay $0x1  }
0x4c: {  	[tilespmem:$0x10C0] =	vst v4  }
0x4d: {  	v4 =	vld.idx.msk [tilespmem:v34+s29+$0x0], $0xffff  }
0x4e: {  	v35 =	vld.idx.msk [tilespmem:v6+s29+$0x0], $0xffff;
	_ =	sdelay $0x4  }
0x4f: {  	v5 =	vsub.f32 v35, v4  }
0x50: {  	v36 =	vor.u32 $0x60, v20  }
0x51: {  	v37 =	vor.u32 v36, v0;
	v5 =	vmul.f32 v5, v3  }
0x52: {  	v6 =	vor.u32 v36, v2  }
0x53: {  	v4 =	vadd.f32 v5, v4;
	_ =	sdelay $0x1  }
0x54: {  	[tilespmem:$0x10D0] =	vst v4  }
0x55: {  	v4 =	vld.idx.msk [tilespmem:v37+s29+$0x0], $0xffff  }
0x56: {  	v38 =	vld.idx.msk [tilespmem:v6+s29+$0x0], $0xffff;
	_ =	sdelay $0x4  }
0x57: {  	v5 =	vsub.f32 v38, v4  }
0x58: {  	v39 =	vor.u32 $0x70, v20  }
0x59: {  	v40 =	vor.u32 v39, v0;
	v5 =	vmul.f32 v5, v3  }
0x5a: {  	v6 =	vor.u32 v39, v2  }
0x5b: {  	v4 =	vadd.f32 v5, v4;
	_ =	sdelay $0x1  }
0x5c: {  	[tilespmem:$0x10E0] =	vst v4  }
0x5d: {  	v4 =	vld.idx.msk [tilespmem:v40+s29+$0x0], $0xffff  }
0x5e: {  	v41 =	vld.idx.msk [tilespmem:v6+s29+$0x0], $0xffff;
	_ =	sdelay $0x4  }
0x5f: {  	v5 =	vsub.f32 v41, v4  }
0x60: {  	v42 =	vor.u32 $0x400, v20  }
0x61: {  	v43 =	vor.u32 v42, v0;
	v5 =	vmul.f32 v5, v3  }
0x62: {  	v6 =	vor.u32 v42, v2  }
0x63: {  	v4 =	vadd.f32 v5, v4;
	_ =	sdelay $0x1  }
0x64: {  	[tilespmem:$0x10F0] =	vst v4  }
0x65: {  	v4 =	vld.idx.msk [tilespmem:v43+s29+$0x0], $0xffff  }
0x66: {  	v44 =	vld.idx.msk [tilespmem:v6+s29+$0x0], $0xffff;
	_ =	sdelay $0x4  }
0x67: {  	v5 =	vsub.f32 v44, v4  }
0x68: {  	v45 =	vor.u32 $0x410, v20  }
0x69: {  	v46 =	vor.u32 v45, v0;
	v5 =	vmul.f32 v5, v3  }
0x6a: {  	v6 =	vor.u32 v45, v2  }
0x6b: {  	v4 =	vadd.f32 v5, v4;
	_ =	sdelay $0x1  }
0x6c: {  	[tilespmem:$0x1100] =	vst v4  }
0x6d: {  	v4 =	vld.idx.msk [tilespmem:v46+s29+$0x0], $0xffff  }
0x6e: {  	v47 =	vld.idx.msk [tilespmem:v6+s29+$0x0], $0xffff;
	_ =	sdelay $0x4  }
0x6f: {  	v5 =	vsub.f32 v47, v4  }
0x70: {  	v48 =	vor.u32 $0x420, v20  }
0x71: {  	v49 =	vor.u32 v48, v0;
	v5 =	vmul.f32 v5, v3  }
0x72: {  	v6 =	vor.u32 v48, v2  }
0x73: {  	v4 =	vadd.f32 v5, v4;
	_ =	sdelay $0x1  }
0x74: {  	[tilespmem:$0x1110] =	vst v4  }
0x75: {  	v4 =	vld.idx.msk [tilespmem:v49+s29+$0x0], $0xffff  }
0x76: {  	v50 =	vld.idx.msk [tilespmem:v6+s29+$0x0], $0xffff;
	_ =	sdelay $0x4  }
0x77: {  	v5 =	vsub.f32 v50, v4  }
0x78: {  	v51 =	vor.u32 $0x430, v20  }
0x79: {  	v52 =	vor.u32 v51, v0;
	v5 =	vmul.f32 v5, v3  }
0x7a: {  	v6 =	vor.u32 v51, v2  }
0x7b: {  	v4 =	vadd.f32 v5, v4;
	_ =	sdelay $0x1  }
0x7c: {  	[tilespmem:$0x1120] =	vst v4  }
0x7d: {  	v4 =	vld.idx.msk [tilespmem:v52+s29+$0x0], $0xffff  }
0x7e: {  	v53 =	vld.idx.msk [tilespmem:v6+s29+$0x0], $0xffff;
	_ =	sdelay $0x4  }
0x7f: {  	v5 =	vsub.f32 v53, v4  }
0x80: {  	v54 =	vor.u32 $0x440, v20  }
0x81: {  	v55 =	vor.u32 v54, v0;
	v5 =	vmul.f32 v5, v3  }
0x82: {  	v6 =	vor.u32 v54, v2  }
0x83: {  	v4 =	vadd.f32 v5, v4;
	_ =	sdelay $0x1  }
0x84: {  	[tilespmem:$0x1130] =	vst v4  }
0x85: {  	v4 =	vld.idx.msk [tilespmem:v55+s29+$0x0], $0xffff  }
0x86: {  	v56 =	vld.idx.msk [tilespmem:v6+s29+$0x0], $0xffff;
	_ =	sdelay $0x4  }
0x87: {  	v5 =	vsub.f32 v56, v4  }
0x88: {  	v57 =	vor.u32 $0x450, v20  }
0x89: {  	v58 =	vor.u32 v57, v0;
	v5 =	vmul.f32 v5, v3  }
0x8a: {  	v6 =	vor.u32 v57, v2  }
0x8b: {  	v4 =	vadd.f32 v5, v4;
	_ =	sdelay $0x1  }
0x8c: {  	[tilespmem:$0x1140] =	vst v4  }
0x8d: {  	v4 =	vld.idx.msk [tilespmem:v58+s29+$0x0], $0xffff  }
0x8e: {  	v59 =	vld.idx.msk [tilespmem:v6+s29+$0x0], $0xffff;
	_ =	sdelay $0x4  }
0x8f: {  	v5 =	vsub.f32 v59, v4  }
0x90: {  	v60 =	vor.u32 $0x460, v20  }
0x91: {  	v61 =	vor.u32 v60, v0;
	v5 =	vmul.f32 v5, v3  }
0x92: {  	v6 =	vor.u32 v60, v2  }
0x93: {  	v4 =	vadd.f32 v5, v4;
	_ =	sdelay $0x1  }
0x94: {  	[tilespmem:$0x1150] =	vst v4  }
0x95: {  	v4 =	vld.idx.msk [tilespmem:v61+s29+$0x0], $0xffff  }
0x96: {  	v62 =	vld.idx.msk [tilespmem:v6+s29+$0x0], $0xffff;
	_ =	sdelay $0x4  }
0x97: {  	v5 =	vsub.f32 v62, v4  }
0x98: {  	v1 =	vor.u32 $0x470, v20  }
0x99: {  	v0 =	vor.u32 v1, v0;
	v5 =	vmul.f32 v5, v3  }
0x9a: {  	v1 =	vor.u32 v1, v2  }
0x9b: {  	v63 =	vadd.f32 v5, v4;
	_ =	sdelay $0x1  }
0x9c: {  	[tilespmem:$0x1160] =	vst v63  }
0x9d: {  	v0 =	vld.idx.msk [tilespmem:v0+s29+$0x0], $0xffff  }
0x9e: {  	v1 =	vld.idx.msk [tilespmem:v1+s29+$0x0], $0xffff;
	_ =	sdelay $0x4  }
0x9f: {  	v1 =	vsub.f32 v1, v0;
	_ =	sdelay $0x1  }
0xa0: {  	v1 =	vmul.f32 v1, v3;
	_ =	sdelay $0x1  }
0xa1: {  	v0 =	vadd.f32 v1, v0  }
0xa2: {  	s30 =	sshll.u32 s4, $0x5  }
0xa3: {  	s31 =	simm.s32 $0x1080;
	s2 =	sadd.s32 s2, s30;
	[tilespmem:$0x1170] =	vst v0  }
0xa4: {  	[hbm4b:s2+s1] =	stream.linear.scatter [tilespmem:s31], [sflag:$0x1], $0x100, $0x38;
	[tilespmem:$0x1180] =	vst v63  }
0xa5: {  	_ =	swait.ge [sflag:s26], $0x100  }
0xa6: {  	[sflag:s26] =	ssyncset.done $0x0  }
0xa7: {  	[sflag:s26] =	ssyncadd.s32 $0xFFFFFF00  }
0xa8: {  	_ =	sfence.sel $0x180000  }
0xa9: {  	[bflag:$0x0] =	sbarrier.arrive $0xFFFF  }
0xaa: {  	p0 =	sne.s32 s4, $0x0;
	_ =	strace $0x90000047  }
0xab: {  	s0 =	sadd.s32 @!p0 $0x100000, s0;
	[bflag:$0x2] =	sbarrier.arrive $0xFFFF  }
0xac: {  	[sflag:s0] =	ssyncadd.tile.s32 @!p0 $0x1;
	_ =	shalt  }
.Lfunc_end2:
_tile_overlayer_lowered:
.L_overlay_start_2:
0xad: {  	(tag) =	ssettag $0x2  }
0xae: {  	s0 =	rddreg [dreg:$0x0];
	s2 =	stileid.u32  }
0xaf: {  	s1 =	rddreg [dreg:$0x1];
	p0 =	sne.s32 s2, $0x0  }
0xb0: {  	s3 =	rddreg [dreg:$0x2];
	[bflag:$0x3] =	sbarrier.arrive $0xFFFF;
	s2 =	simm.s32 @!p0 $0x1C01  }
0xb1: {  	[timem:s3], [sflag:s2] =	dma.local @!p0 [hbm:s0], s1  }
0xb2: {  	s0 =	simm.s32 @!p0 $0x1  }
0xb3: {  	_ =	swait.ge @!p0 [sflag:s0], s1  }
0xb4: {  	s1 =	ssub.s32 @!p0 $0x0, s1;
	[sflag:s0] =	ssyncset.done @!p0 $0x0  }
0xb5: {  	[sflag:s0] =	ssyncadd.s32 @!p0 s1  }
0xb6: {  	[bflag:$0x3] =	sbarrier.arrive $0xFFFF  }
0xb7: {  	_ =	shalt  }

</sc_bundles>
